<compile_context>
chip_gen: v7x
topology: tpu7x:2x2x1
jax: 0.10.2.dev20260603
libtpu: 0.0.44.dev20260713+nightly
codegen_flags: <defaults>
</compile_context>

<pallas_src>
import functools

import jax
import jax.numpy as jnp
from jax import lax
from jax.experimental import pallas as pl
from jax.experimental.pallas import tpu as pltpu
from jax.experimental.pallas import tpu_sc as plsc

VOCAB, EDIM, HID = 100000, 64, 128
B, L = 4096, 200
TOKENS = B * L

VBLK = 2000

NC, NS = 2, 16
NW = NC * NS
ROWS_PER_W = TOKENS // NW
CHUNK = 128
NCHUNK = ROWS_PER_W // CHUNK
TOTAL_CHUNKS = TOKENS // CHUNK


def _sigmoid(x):
    return 1.0 / (1.0 + jnp.exp(-x))


def _mlp_body(table_ref, wp_ref, wt0_ref, bt0_ref, wg0_ref, bg0_ref,
              wt1_ref, bt1_ref, wg1_ref, bg1_ref, out_ref):
    h = jnp.dot(table_ref[...], wp_ref[...], preferred_element_type=jnp.float32)
    for wt, bt, wg, bg in ((wt0_ref, bt0_ref, wg0_ref, bg0_ref),
                           (wt1_ref, bt1_ref, wg1_ref, bg1_ref)):
        g = _sigmoid(jnp.dot(h, wg[...], preferred_element_type=jnp.float32) + bg[...])
        t = jnp.maximum(jnp.dot(h, wt[...], preferred_element_type=jnp.float32) + bt[...], 0.0)
        h = g * t + (1.0 - g) * h
    out_ref[...] = h


def _precompute_table(table, Wp, Wt0, bt0, Wg0, bg0, Wt1, bt1, Wg1, bg1):
    wp_spec = pl.BlockSpec((EDIM, HID), lambda i: (0, 0))
    w_spec = pl.BlockSpec((HID, HID), lambda i: (0, 0))
    b_spec = pl.BlockSpec((1, HID), lambda i: (0, 0))
    return pl.pallas_call(
        _mlp_body,
        grid=(VOCAB // VBLK,),
        in_specs=[pl.BlockSpec((VBLK, EDIM), lambda i: (i, 0)),
                  wp_spec, w_spec, b_spec, w_spec, b_spec,
                  w_spec, b_spec, w_spec, b_spec],
        out_specs=pl.BlockSpec((VBLK, HID), lambda i: (i, 0)),
        out_shape=jax.ShapeDtypeStruct((VOCAB, HID), jnp.float32),
    )(table, Wp, Wt0, bt0.reshape(1, HID), Wg0, bg0.reshape(1, HID),
      Wt1, bt1.reshape(1, HID), Wg1, bg1.reshape(1, HID))


@functools.lru_cache(maxsize=1)
def _make_sc_gather():
    @functools.partial(
        pl.kernel,
        mesh=plsc.VectorSubcoreMesh(core_axis_name="c", subcore_axis_name="s"),
        out_type=jax.ShapeDtypeStruct((TOTAL_CHUNKS, CHUNK, HID), jnp.float32),
        scratch_types=[
            pltpu.VMEM((NCHUNK, CHUNK), jnp.int32),
            pltpu.VMEM((CHUNK, HID), jnp.float32),
            pltpu.VMEM((CHUNK, HID), jnp.float32),
            pltpu.SemaphoreType.DMA,
            pltpu.SemaphoreType.DMA,
        ],
    )
    def _sc_gather(table2_hbm, idx_hbm, out_hbm, idx_v, rows0, rows1, sem0, sem1):
        wid = lax.axis_index("s") * NC + lax.axis_index("c")
        chunk0 = wid * NCHUNK
        pltpu.sync_copy(idx_hbm.at[pl.ds(chunk0, NCHUNK)], idx_v)
        pltpu.async_copy(table2_hbm.at[idx_v.at[0]], rows0, sem0)

        def body(jj, carry):
            j0 = jj * 2
            pltpu.async_copy(table2_hbm.at[idx_v.at[j0 + 1]], rows1, sem1)
            pltpu.make_async_copy(table2_hbm.at[idx_v.at[j0]], rows0, sem0).wait()
            pltpu.sync_copy(rows0, out_hbm.at[chunk0 + j0])

            @pl.when(j0 + 2 < NCHUNK)
            def _():
                pltpu.async_copy(table2_hbm.at[idx_v.at[j0 + 2]], rows0, sem0)

            pltpu.make_async_copy(table2_hbm.at[idx_v.at[j0 + 1]], rows1, sem1).wait()
            pltpu.sync_copy(rows1, out_hbm.at[chunk0 + j0 + 1])
            return carry

        lax.fori_loop(0, NCHUNK // 2, body, 0)

    return _sc_gather


def kernel(x, table, Wp, Wt0, bt0, Wg0, bg0, Wt1, bt1, Wg1, bg1):
    table2 = _precompute_table(table, Wp, Wt0, bt0, Wg0, bg0, Wt1, bt1, Wg1, bg1)
    idx = x.reshape(TOTAL_CHUNKS, CHUNK)
    out = _make_sc_gather()(table2, idx)
    return out.reshape(B, L, HID)

# --- scband reference (transcript-rebuilt; emitter-appended) ---
"""Pipeline reference for scband-embedding-32667521253489 (READ-ONLY COPY).

The authoritative reference and input builder live on the scoring server;
editing this copy changes nothing except your own understanding.
"""

import jax, jax.numpy as jnp
import numpy as np

VOCAB, EDIM, HID = 100000, 64, 128
B, L = 4096, 200


def setup_inputs(seed: int = 0) -> dict:
    key = jax.random.key(seed)
    ks = jax.random.split(key, 12)
    x = jax.random.randint(ks[0], (B, L), 0, VOCAB, dtype=jnp.int32)
    table = jax.random.normal(ks[1], (VOCAB, EDIM), dtype=jnp.float32) * 0.1
    Wp = jax.random.normal(ks[2], (EDIM, HID), dtype=jnp.float32) * (1.0 / np.sqrt(EDIM))
    stdv = 1.0 / np.sqrt(HID)
    # highway layer 0
    Wt0 = jax.random.normal(ks[3], (HID, HID), dtype=jnp.float32) * np.sqrt(2.0 / HID)
    bt0 = jax.random.uniform(ks[4], (HID,), dtype=jnp.float32, minval=-stdv, maxval=stdv)
    Wg0 = jax.random.normal(ks[5], (HID, HID), dtype=jnp.float32) * np.sqrt(2.0 / HID)
    bg0 = jnp.full((HID,), -2.0, dtype=jnp.float32)
    # highway layer 1
    Wt1 = jax.random.normal(ks[6], (HID, HID), dtype=jnp.float32) * np.sqrt(2.0 / HID)
    bt1 = jax.random.uniform(ks[7], (HID,), dtype=jnp.float32, minval=-stdv, maxval=stdv)
    Wg1 = jax.random.normal(ks[8], (HID, HID), dtype=jnp.float32) * np.sqrt(2.0 / HID)
    bg1 = jnp.full((HID,), -2.0, dtype=jnp.float32)
    return {"x": x, "table": table, "Wp": Wp, "Wt0": Wt0, "bt0": bt0,
            "Wg0": Wg0, "bg0": bg0, "Wt1": Wt1, "bt1": bt1, "Wg1": Wg1, "bg1": bg1}


def reference(x, table, Wp, Wt0, bt0, Wg0, bg0, Wt1, bt1, Wg1, bg1):
    # embedding lookup (frozen pretrained table); dropout is identity in eval mode
    emb = jnp.take(table, x, axis=0)              # [B, L, EDIM]
    h = emb @ Wp                                   # proj, bias=False -> [B, L, HID]
    # HighwayEncoder with num_layers=2
    for Wt, bt, Wg, bg in ((Wt0, bt0, Wg0, bg0), (Wt1, bt1, Wg1, bg1)):
        g = jax.nn.sigmoid(h @ Wg + bg)
        t = jax.nn.relu(h @ Wt + bt)
        h = g * t + (1.0 - g) * h
    return h

if __name__ == "__main__":
    import jax
    _d = setup_inputs()
    print(jax.jit(kernel)(*tuple(_d.values())))

</pallas_src>

<mosaic_0001>
#map = affine_map<(d0, d1) -> (0, 0)>
#map1 = affine_map<(d0, d1) -> (0, 0, 0)>
module attributes {stable_mosaic.version = 14 : i64} {
  func.func @_sc_gather(%arg0: i32, %arg1: i32, %arg2: memref<100000x128xf32, #tpu.memory_space<hbm>>, %arg3: memref<6400x128xi32, #tpu.memory_space<hbm>>, %arg4: memref<6400x128x128xf32, #tpu.memory_space<hbm>>, %arg5: memref<200x128xi32, #tpu.memory_space<vmem>>, %arg6: memref<128x128xf32, #tpu.memory_space<vmem>>, %arg7: memref<128x128xf32, #tpu.memory_space<vmem>>, %arg8: memref<!tpu.dma_semaphore, #tpu.memory_space<semaphore_mem>>, %arg9: memref<!tpu.dma_semaphore, #tpu.memory_space<semaphore_mem>>) attributes {dimension_semantics = [#tpu.dimension_semantics<core_parallel>, #tpu.dimension_semantics<subcore_parallel>], iteration_bounds = array<i64: 2, 16>, scalar_prefetch = 0 : i64, scratch_operands = 5 : i64, tpu.core_type = #tpu.core_type<sc_vector_subcore>, window_params = [{transform_indices = #map}, {transform_indices = #map}, {transform_indices = #map1}]} {
    %mul3A = arith.constant 2 : i32
    %mul3A_0 = arith.muli %arg1, %mul3A : i32
    %add3A = arith.addi %mul3A_0, %arg0 : i32
    %mul3A_1 = arith.constant 200 : i32
    %mul3A_2 = arith.muli %add3A, %mul3A_1 : i32
    "tpu.region"() ({
      %run_scoped3A = tpu.sem_alloc : memref<!tpu.dma_semaphore, #tpu.memory_space<semaphore_mem>>
      %dma_start3A_14 = arith.constant 0 : i32
      %dma_start3A_15 = tpu.memref_slice %arg3[%mul3A_2, %dma_start3A_14] : memref<6400x128xi32, #tpu.memory_space<hbm>> -> memref<200x128xi32, #tpu.memory_space<hbm>>
      %dma_start3A_16 = arith.constant 0 : i32
      %dma_start3A_17 = tpu.memref_slice %arg3[%mul3A_2, %dma_start3A_16] : memref<6400x128xi32, #tpu.memory_space<hbm>> -> memref<200x128xi32, #tpu.memory_space<hbm>>
      tpu.enqueue_dma source(%dma_start3A_17 : memref<200x128xi32, #tpu.memory_space<hbm>>) target(%arg5 : memref<200x128xi32, #tpu.memory_space<vmem>>) target_semaphore(%run_scoped3A : memref<!tpu.dma_semaphore, #tpu.memory_space<semaphore_mem>>)
      %dma_wait3A = arith.constant 0 : i32
      %dma_wait3A_18 = tpu.memref_slice %arg3[%mul3A_2, %dma_wait3A] : memref<6400x128xi32, #tpu.memory_space<hbm>> -> memref<200x128xi32, #tpu.memory_space<hbm>>
      %dma_wait3A_19 = arith.constant 0 : i32
      %dma_wait3A_20 = tpu.memref_slice %arg3[%mul3A_2, %dma_wait3A_19] : memref<6400x128xi32, #tpu.memory_space<hbm>> -> memref<200x128xi32, #tpu.memory_space<hbm>>
      tpu.wait_dma2 semaphore(%run_scoped3A : memref<!tpu.dma_semaphore, #tpu.memory_space<semaphore_mem>>) src(%dma_wait3A_20 : memref<200x128xi32, #tpu.memory_space<hbm>>) dst(%arg5 : memref<200x128xi32, #tpu.memory_space<vmem>>)
      tpu.yield
    }) : () -> ()
    %dma_start3A = arith.constant 0 : i32
    %dma_start3A_3 = arith.constant 0 : i32
    %dma_start3A_4 = tpu.memref_slice %arg5[%dma_start3A, %dma_start3A_3] : memref<200x128xi32, #tpu.memory_space<vmem>> -> memref<1x128xi32, #tpu.memory_space<vmem>>
    %dma_start3A_5 = tpu.memref_squeeze %dma_start3A_4 : memref<1x128xi32, #tpu.memory_space<vmem>> -> memref<128xi32, #tpu.memory_space<vmem>>
    %dma_start3A_6 = arith.constant 0 : i32
    %dma_start3A_7 = arith.constant 0 : i32
    %dma_start3A_8 = tpu.memref_slice %arg2[%dma_start3A_6, %dma_start3A_7] : memref<100000x128xf32, #tpu.memory_space<hbm>> -> memref<100000x128xf32, #tpu.memory_space<hbm>>
    tpu.enqueue_indirect_dma source(%dma_start3A_8 : memref<100000x128xf32, #tpu.memory_space<hbm>>) target(%arg6 : memref<128x128xf32, #tpu.memory_space<vmem>>) offsets(%dma_start3A_5 : memref<128xi32, #tpu.memory_space<vmem>>) semaphore(%arg8 : memref<!tpu.dma_semaphore, #tpu.memory_space<semaphore_mem>>)
    %scan3A = arith.constant 0 : i32
    %scan3A_9 = arith.constant 0 : i32
    %scan3A_10 = arith.constant 100 : i32
    %scan3A_11 = arith.addi %scan3A_9, %scan3A_10 : i32
    %scan3A_12 = arith.constant 1 : i32
    scf.for %scan3A_14 = %scan3A_9 to %scan3A_11 step %scan3A_12  : i32 {
      %mul3A_15 = arith.constant 2 : i32
      %mul3A_16 = arith.muli %scan3A_14, %mul3A_15 : i32
      %add3A_17 = arith.constant 1 : i32
      %add3A_18 = arith.addi %mul3A_16, %add3A_17 : i32
      %dma_start3A_19 = arith.constant 0 : i32
      %dma_start3A_20 = tpu.memref_slice %arg5[%add3A_18, %dma_start3A_19] : memref<200x128xi32, #tpu.memory_space<vmem>> -> memref<1x128xi32, #tpu.memory_space<vmem>>
      %dma_start3A_21 = tpu.memref_squeeze %dma_start3A_20 : memref<1x128xi32, #tpu.memory_space<vmem>> -> memref<128xi32, #tpu.memory_space<vmem>>
      %dma_start3A_22 = arith.constant 0 : i32
      %dma_start3A_23 = arith.constant 0 : i32
      %dma_start3A_24 = tpu.memref_slice %arg2[%dma_start3A_22, %dma_start3A_23] : memref<100000x128xf32, #tpu.memory_space<hbm>> -> memref<100000x128xf32, #tpu.memory_space<hbm>>
      tpu.enqueue_indirect_dma source(%dma_start3A_24 : memref<100000x128xf32, #tpu.memory_space<hbm>>) target(%arg7 : memref<128x128xf32, #tpu.memory_space<vmem>>) offsets(%dma_start3A_21 : memref<128xi32, #tpu.memory_space<vmem>>) semaphore(%arg9 : memref<!tpu.dma_semaphore, #tpu.memory_space<semaphore_mem>>)
      %dma_wait3A = arith.constant 0 : i32
      %dma_wait3A_25 = tpu.memref_slice %arg5[%mul3A_16, %dma_wait3A] : memref<200x128xi32, #tpu.memory_space<vmem>> -> memref<1x128xi32, #tpu.memory_space<vmem>>
      %dma_wait3A_26 = tpu.memref_squeeze %dma_wait3A_25 : memref<1x128xi32, #tpu.memory_space<vmem>> -> memref<128xi32, #tpu.memory_space<vmem>>
      %dma_wait3A_27 = arith.constant 0 : i32
      %dma_wait3A_28 = arith.constant 0 : i32
      %dma_wait3A_29 = tpu.memref_slice %arg2[%dma_wait3A_27, %dma_wait3A_28] : memref<100000x128xf32, #tpu.memory_space<hbm>> -> memref<100000x128xf32, #tpu.memory_space<hbm>>
      tpu.wait_indirect_dma semaphore(%arg8 : memref<!tpu.dma_semaphore, #tpu.memory_space<semaphore_mem>>) src(%dma_wait3A_29 : memref<100000x128xf32, #tpu.memory_space<hbm>>) dst(%arg6 : memref<128x128xf32, #tpu.memory_space<vmem>>)
      %add3A_30 = arith.addi %mul3A_2, %mul3A_16 : i32
      "tpu.region"() ({
        %run_scoped3A = tpu.sem_alloc : memref<!tpu.dma_semaphore, #tpu.memory_space<semaphore_mem>>
        %dma_start3A_46 = arith.constant 0 : i32
        %dma_start3A_47 = arith.constant 0 : i32
        %dma_start3A_48 = tpu.memref_slice %arg4[%add3A_30, %dma_start3A_46, %dma_start3A_47] : memref<6400x128x128xf32, #tpu.memory_space<hbm>> -> memref<1x128x128xf32, #tpu.memory_space<hbm>>
        %dma_start3A_49 = tpu.memref_squeeze %dma_start3A_48 : memref<1x128x128xf32, #tpu.memory_space<hbm>> -> memref<128x128xf32, #tpu.memory_space<hbm>>
        %dma_start3A_50 = arith.constant 0 : i32
        %dma_start3A_51 = arith.constant 0 : i32
        %dma_start3A_52 = tpu.memref_slice %arg4[%add3A_30, %dma_start3A_50, %dma_start3A_51] : memref<6400x128x128xf32, #tpu.memory_space<hbm>> -> memref<1x128x128xf32, #tpu.memory_space<hbm>>
        %dma_start3A_53 = tpu.memref_squeeze %dma_start3A_52 : memref<1x128x128xf32, #tpu.memory_space<hbm>> -> memref<128x128xf32, #tpu.memory_space<hbm>>
        tpu.enqueue_dma source(%arg6 : memref<128x128xf32, #tpu.memory_space<vmem>>) target(%dma_start3A_53 : memref<128x128xf32, #tpu.memory_space<hbm>>) target_semaphore(%run_scoped3A : memref<!tpu.dma_semaphore, #tpu.memory_space<semaphore_mem>>)
        %dma_wait3A_54 = arith.constant 0 : i32
        %dma_wait3A_55 = arith.constant 0 : i32
        %dma_wait3A_56 = tpu.memref_slice %arg4[%add3A_30, %dma_wait3A_54, %dma_wait3A_55] : memref<6400x128x128xf32, #tpu.memory_space<hbm>> -> memref<1x128x128xf32, #tpu.memory_space<hbm>>
        %dma_wait3A_57 = tpu.memref_squeeze %dma_wait3A_56 : memref<1x128x128xf32, #tpu.memory_space<hbm>> -> memref<128x128xf32, #tpu.memory_space<hbm>>
        %dma_wait3A_58 = arith.constant 0 : i32
        %dma_wait3A_59 = arith.constant 0 : i32
        %dma_wait3A_60 = tpu.memref_slice %arg4[%add3A_30, %dma_wait3A_58, %dma_wait3A_59] : memref<6400x128x128xf32, #tpu.memory_space<hbm>> -> memref<1x128x128xf32, #tpu.memory_space<hbm>>
        %dma_wait3A_61 = tpu.memref_squeeze %dma_wait3A_60 : memref<1x128x128xf32, #tpu.memory_space<hbm>> -> memref<128x128xf32, #tpu.memory_space<hbm>>
        tpu.wait_dma2 semaphore(%run_scoped3A : memref<!tpu.dma_semaphore, #tpu.memory_space<semaphore_mem>>) src(%arg6 : memref<128x128xf32, #tpu.memory_space<vmem>>) dst(%dma_wait3A_61 : memref<128x128xf32, #tpu.memory_space<hbm>>)
        tpu.yield
      }) : () -> ()
      %add3A_31 = arith.constant 2 : i32
      %add3A_32 = arith.addi %mul3A_16, %add3A_31 : i32
      %lt3A = arith.constant 200 : i32
      %lt3A_33 = arith.cmpi slt, %add3A_32, %lt3A : i32
      %convert_element_type3A = arith.extui %lt3A_33 : i1 to i32
      %cond3A = arith.constant 0 : i32
      %cond3A_34 = arith.cmpi ne, %convert_element_type3A, %cond3A : i32
      scf.if %cond3A_34 {
        %add3A_46 = arith.constant 2 : i32
        %add3A_47 = arith.addi %mul3A_16, %add3A_46 : i32
        %dma_start3A_48 = arith.constant 0 : i32
        %dma_start3A_49 = tpu.memref_slice %arg5[%add3A_47, %dma_start3A_48] : memref<200x128xi32, #tpu.memory_space<vmem>> -> memref<1x128xi32, #tpu.memory_space<vmem>>
        %dma_start3A_50 = tpu.memref_squeeze %dma_start3A_49 : memref<1x128xi32, #tpu.memory_space<vmem>> -> memref<128xi32, #tpu.memory_space<vmem>>
        %dma_start3A_51 = arith.constant 0 : i32
        %dma_start3A_52 = arith.constant 0 : i32
        %dma_start3A_53 = tpu.memref_slice %arg2[%dma_start3A_51, %dma_start3A_52] : memref<100000x128xf32, #tpu.memory_space<hbm>> -> memref<100000x128xf32, #tpu.memory_space<hbm>>
        tpu.enqueue_indirect_dma source(%dma_start3A_53 : memref<100000x128xf32, #tpu.memory_space<hbm>>) target(%arg6 : memref<128x128xf32, #tpu.memory_space<vmem>>) offsets(%dma_start3A_50 : memref<128xi32, #tpu.memory_space<vmem>>) semaphore(%arg8 : memref<!tpu.dma_semaphore, #tpu.memory_space<semaphore_mem>>)
      } else {
      }
      %add3A_35 = arith.constant 1 : i32
      %add3A_36 = arith.addi %mul3A_16, %add3A_35 : i32
      %dma_wait3A_37 = arith.constant 0 : i32
      %dma_wait3A_38 = tpu.memref_slice %arg5[%add3A_36, %dma_wait3A_37] : memref<200x128xi32, #tpu.memory_space<vmem>> -> memref<1x128xi32, #tpu.memory_space<vmem>>
      %dma_wait3A_39 = tpu.memref_squeeze %dma_wait3A_38 : memref<1x128xi32, #tpu.memory_space<vmem>> -> memref<128xi32, #tpu.memory_space<vmem>>
      %dma_wait3A_40 = arith.constant 0 : i32
      %dma_wait3A_41 = arith.constant 0 : i32
      %dma_wait3A_42 = tpu.memref_slice %arg2[%dma_wait3A_40, %dma_wait3A_41] : memref<100000x128xf32, #tpu.memory_space<hbm>> -> memref<100000x128xf32, #tpu.memory_space<hbm>>
      tpu.wait_indirect_dma semaphore(%arg9 : memref<!tpu.dma_semaphore, #tpu.memory_space<semaphore_mem>>) src(%dma_wait3A_42 : memref<100000x128xf32, #tpu.memory_space<hbm>>) dst(%arg7 : memref<128x128xf32, #tpu.memory_space<vmem>>)
      %add3A_43 = arith.addi %mul3A_2, %mul3A_16 : i32
      %add3A_44 = arith.constant 1 : i32
      %add3A_45 = arith.addi %add3A_43, %add3A_44 : i32
      "tpu.region"() ({
        %run_scoped3A = tpu.sem_alloc : memref<!tpu.dma_semaphore, #tpu.memory_space<semaphore_mem>>
        %dma_start3A_46 = arith.constant 0 : i32
        %dma_start3A_47 = arith.constant 0 : i32
        %dma_start3A_48 = tpu.memref_slice %arg4[%add3A_45, %dma_start3A_46, %dma_start3A_47] : memref<6400x128x128xf32, #tpu.memory_space<hbm>> -> memref<1x128x128xf32, #tpu.memory_space<hbm>>
        %dma_start3A_49 = tpu.memref_squeeze %dma_start3A_48 : memref<1x128x128xf32, #tpu.memory_space<hbm>> -> memref<128x128xf32, #tpu.memory_space<hbm>>
        %dma_start3A_50 = arith.constant 0 : i32
        %dma_start3A_51 = arith.constant 0 : i32
        %dma_start3A_52 = tpu.memref_slice %arg4[%add3A_45, %dma_start3A_50, %dma_start3A_51] : memref<6400x128x128xf32, #tpu.memory_space<hbm>> -> memref<1x128x128xf32, #tpu.memory_space<hbm>>
        %dma_start3A_53 = tpu.memref_squeeze %dma_start3A_52 : memref<1x128x128xf32, #tpu.memory_space<hbm>> -> memref<128x128xf32, #tpu.memory_space<hbm>>
        tpu.enqueue_dma source(%arg7 : memref<128x128xf32, #tpu.memory_space<vmem>>) target(%dma_start3A_53 : memref<128x128xf32, #tpu.memory_space<hbm>>) target_semaphore(%run_scoped3A : memref<!tpu.dma_semaphore, #tpu.memory_space<semaphore_mem>>)
        %dma_wait3A_54 = arith.constant 0 : i32
        %dma_wait3A_55 = arith.constant 0 : i32
        %dma_wait3A_56 = tpu.memref_slice %arg4[%add3A_45, %dma_wait3A_54, %dma_wait3A_55] : memref<6400x128x128xf32, #tpu.memory_space<hbm>> -> memref<1x128x128xf32, #tpu.memory_space<hbm>>
        %dma_wait3A_57 = tpu.memref_squeeze %dma_wait3A_56 : memref<1x128x128xf32, #tpu.memory_space<hbm>> -> memref<128x128xf32, #tpu.memory_space<hbm>>
        %dma_wait3A_58 = arith.constant 0 : i32
        %dma_wait3A_59 = arith.constant 0 : i32
        %dma_wait3A_60 = tpu.memref_slice %arg4[%add3A_45, %dma_wait3A_58, %dma_wait3A_59] : memref<6400x128x128xf32, #tpu.memory_space<hbm>> -> memref<1x128x128xf32, #tpu.memory_space<hbm>>
        %dma_wait3A_61 = tpu.memref_squeeze %dma_wait3A_60 : memref<1x128x128xf32, #tpu.memory_space<hbm>> -> memref<128x128xf32, #tpu.memory_space<hbm>>
        tpu.wait_dma2 semaphore(%run_scoped3A : memref<!tpu.dma_semaphore, #tpu.memory_space<semaphore_mem>>) src(%arg7 : memref<128x128xf32, #tpu.memory_space<vmem>>) dst(%dma_wait3A_61 : memref<128x128xf32, #tpu.memory_space<hbm>>)
        tpu.yield
      }) : () -> ()
    }
    %scan3A_13 = arith.constant 100 : i32
    return
  }
}

module attributes {stable_mosaic.version = 14 : i64} {
  func.func @_mlp_body(%arg0: i32, %arg1: memref<2000x64xf32, #tpu.memory_space<vmem>>, %arg2: memref<64x128xf32, #tpu.memory_space<vmem>>, %arg3: memref<128x128xf32, #tpu.memory_space<vmem>>, %arg4: memref<1x128xf32, #tpu.memory_space<vmem>>, %arg5: memref<128x128xf32, #tpu.memory_space<vmem>>, %arg6: memref<1x128xf32, #tpu.memory_space<vmem>>, %arg7: memref<128x128xf32, #tpu.memory_space<vmem>>, %arg8: memref<1x128xf32, #tpu.memory_space<vmem>>, %arg9: memref<128x128xf32, #tpu.memory_space<vmem>>, %arg10: memref<1x128xf32, #tpu.memory_space<vmem>>, %arg11: memref<2000x128xf32, #tpu.memory_space<vmem>>) attributes {dimension_semantics = [#tpu.dimension_semantics<arbitrary>], iteration_bounds = array<i64: 50>, scalar_prefetch = 0 : i64, scratch_operands = 0 : i64, tpu.core_type = #tpu.core_type<tc>, window_params = [{transform_indices = @transform_0, window_bounds = array<i64: 2000, 64>}, {pipeline_mode = #tpu.pipeline_mode<synchronous>, transform_indices = @transform_1, window_bounds = array<i64: 64, 128>}, {pipeline_mode = #tpu.pipeline_mode<synchronous>, transform_indices = @transform_2, window_bounds = array<i64: 128, 128>}, {pipeline_mode = #tpu.pipeline_mode<synchronous>, transform_indices = @transform_3, window_bounds = array<i64: 1, 128>}, {pipeline_mode = #tpu.pipeline_mode<synchronous>, transform_indices = @transform_4, window_bounds = array<i64: 128, 128>}, {pipeline_mode = #tpu.pipeline_mode<synchronous>, transform_indices = @transform_5, window_bounds = array<i64: 1, 128>}, {pipeline_mode = #tpu.pipeline_mode<synchronous>, transform_indices = @transform_6, window_bounds = array<i64: 128, 128>}, {pipeline_mode = #tpu.pipeline_mode<synchronous>, transform_indices = @transform_7, window_bounds = array<i64: 1, 128>}, {pipeline_mode = #tpu.pipeline_mode<synchronous>, transform_indices = @transform_8, window_bounds = array<i64: 128, 128>}, {pipeline_mode = #tpu.pipeline_mode<synchronous>, transform_indices = @transform_9, window_bounds = array<i64: 1, 128>}, {transform_indices = @transform_10, window_bounds = array<i64: 2000, 128>}]} {
    %get3A = arith.constant 0 : index
    %get3A_0 = arith.constant 0 : index
    %get3A_1 = vector.load %arg1[%get3A, %get3A_0] : memref<2000x64xf32, #tpu.memory_space<vmem>>, vector<2000x64xf32>
    %get3A_2 = arith.constant 0 : index
    %get3A_3 = arith.constant 0 : index
    %get3A_4 = vector.load %arg2[%get3A_2, %get3A_3] : memref<64x128xf32, #tpu.memory_space<vmem>>, vector<64x128xf32>
    %dot_general3A = arith.constant dense<0.000000e+00> : vector<2000x128xf32>
    %dot_general3A_5 = tpu.matmul %get3A_1, %get3A_4, %dot_general3A {dimension_numbers = #tpu.dot_dimension_numbers<[1], [0], [0], [1], [0, 0, 1, 1], [], []>, transpose_lhs_hint = false} : vector<2000x64xf32>, vector<64x128xf32>, vector<2000x128xf32> -> vector<2000x128xf32>
    %get3A_6 = arith.constant 0 : index
    %get3A_7 = arith.constant 0 : index
    %get3A_8 = vector.load %arg5[%get3A_6, %get3A_7] : memref<128x128xf32, #tpu.memory_space<vmem>>, vector<128x128xf32>
    %dot_general3A_9 = arith.constant dense<0.000000e+00> : vector<2000x128xf32>
    %dot_general3A_10 = tpu.matmul %dot_general3A_5, %get3A_8, %dot_general3A_9 {dimension_numbers = #tpu.dot_dimension_numbers<[1], [0], [0], [1], [0, 0, 1, 1], [], []>, transpose_lhs_hint = false} : vector<2000x128xf32>, vector<128x128xf32>, vector<2000x128xf32> -> vector<2000x128xf32>
    %get3A_11 = arith.constant 0 : index
    %get3A_12 = arith.constant 0 : index
    %get3A_13 = vector.load %arg6[%get3A_11, %get3A_12] : memref<1x128xf32, #tpu.memory_space<vmem>>, vector<1x128xf32>
    %add3A = vector.broadcast %get3A_13 : vector<1x128xf32> to vector<2000x128xf32>
    %add3A_14 = arith.addf %dot_general3A_10, %add3A : vector<2000x128xf32>
    %neg3A = arith.constant 0.000000e+00 : f32
    %neg3A_15 = vector.broadcast %neg3A : f32 to vector<2000x128xf32>
    %neg3A_16 = arith.subf %neg3A_15, %add3A_14 : vector<2000x128xf32>
    %exp3A = math.exp %neg3A_16 : vector<2000x128xf32>
    %add3A_17 = arith.constant 1.000000e+00 : f32
    %add3A_18 = vector.broadcast %add3A_17 : f32 to vector<2000x128xf32>
    %add3A_19 = arith.addf %add3A_18, %exp3A : vector<2000x128xf32>
    %div3A = arith.constant 1.000000e+00 : f32
    %div3A_20 = vector.broadcast %div3A : f32 to vector<2000x128xf32>
    %div3A_21 = arith.divf %div3A_20, %add3A_19 : vector<2000x128xf32>
    %get3A_22 = arith.constant 0 : index
    %get3A_23 = arith.constant 0 : index
    %get3A_24 = vector.load %arg3[%get3A_22, %get3A_23] : memref<128x128xf32, #tpu.memory_space<vmem>>, vector<128x128xf32>
    %dot_general3A_25 = arith.constant dense<0.000000e+00> : vector<2000x128xf32>
    %dot_general3A_26 = tpu.matmul %dot_general3A_5, %get3A_24, %dot_general3A_25 {dimension_numbers = #tpu.dot_dimension_numbers<[1], [0], [0], [1], [0, 0, 1, 1], [], []>, transpose_lhs_hint = false} : vector<2000x128xf32>, vector<128x128xf32>, vector<2000x128xf32> -> vector<2000x128xf32>
    %get3A_27 = arith.constant 0 : index
    %get3A_28 = arith.constant 0 : index
    %get3A_29 = vector.load %arg4[%get3A_27, %get3A_28] : memref<1x128xf32, #tpu.memory_space<vmem>>, vector<1x128xf32>
    %add3A_30 = vector.broadcast %get3A_29 : vector<1x128xf32> to vector<2000x128xf32>
    %add3A_31 = arith.addf %dot_general3A_26, %add3A_30 : vector<2000x128xf32>
    %max3A = arith.constant 0.000000e+00 : f32
    %max3A_32 = vector.broadcast %max3A : f32 to vector<2000x128xf32>
    %max3A_33 = arith.maximumf %add3A_31, %max3A_32 : vector<2000x128xf32>
    %mul3A = arith.mulf %div3A_21, %max3A_33 : vector<2000x128xf32>
    %sub3A = arith.constant 1.000000e+00 : f32
    %sub3A_34 = vector.broadcast %sub3A : f32 to vector<2000x128xf32>
    %sub3A_35 = arith.subf %sub3A_34, %div3A_21 : vector<2000x128xf32>
    %mul3A_36 = arith.mulf %sub3A_35, %dot_general3A_5 : vector<2000x128xf32>
    %add3A_37 = arith.addf %mul3A, %mul3A_36 : vector<2000x128xf32>
    %get3A_38 = arith.constant 0 : index
    %get3A_39 = arith.constant 0 : index
    %get3A_40 = vector.load %arg9[%get3A_38, %get3A_39] : memref<128x128xf32, #tpu.memory_space<vmem>>, vector<128x128xf32>
    %dot_general3A_41 = arith.constant dense<0.000000e+00> : vector<2000x128xf32>
    %dot_general3A_42 = tpu.matmul %add3A_37, %get3A_40, %dot_general3A_41 {dimension_numbers = #tpu.dot_dimension_numbers<[1], [0], [0], [1], [0, 0, 1, 1], [], []>, transpose_lhs_hint = false} : vector<2000x128xf32>, vector<128x128xf32>, vector<2000x128xf32> -> vector<2000x128xf32>
    %get3A_43 = arith.constant 0 : index
    %get3A_44 = arith.constant 0 : index
    %get3A_45 = vector.load %arg10[%get3A_43, %get3A_44] : memref<1x128xf32, #tpu.memory_space<vmem>>, vector<1x128xf32>
    %add3A_46 = vector.broadcast %get3A_45 : vector<1x128xf32> to vector<2000x128xf32>
    %add3A_47 = arith.addf %dot_general3A_42, %add3A_46 : vector<2000x128xf32>
    %neg3A_48 = arith.constant 0.000000e+00 : f32
    %neg3A_49 = vector.broadcast %neg3A_48 : f32 to vector<2000x128xf32>
    %neg3A_50 = arith.subf %neg3A_49, %add3A_47 : vector<2000x128xf32>
    %exp3A_51 = math.exp %neg3A_50 : vector<2000x128xf32>
    %add3A_52 = arith.constant 1.000000e+00 : f32
    %add3A_53 = vector.broadcast %add3A_52 : f32 to vector<2000x128xf32>
    %add3A_54 = arith.addf %add3A_53, %exp3A_51 : vector<2000x128xf32>
    %div3A_55 = arith.constant 1.000000e+00 : f32
    %div3A_56 = vector.broadcast %div3A_55 : f32 to vector<2000x128xf32>
    %div3A_57 = arith.divf %div3A_56, %add3A_54 : vector<2000x128xf32>
    %get3A_58 = arith.constant 0 : index
    %get3A_59 = arith.constant 0 : index
    %get3A_60 = vector.load %arg7[%get3A_58, %get3A_59] : memref<128x128xf32, #tpu.memory_space<vmem>>, vector<128x128xf32>
    %dot_general3A_61 = arith.constant dense<0.000000e+00> : vector<2000x128xf32>
    %dot_general3A_62 = tpu.matmul %add3A_37, %get3A_60, %dot_general3A_61 {dimension_numbers = #tpu.dot_dimension_numbers<[1], [0], [0], [1], [0, 0, 1, 1], [], []>, transpose_lhs_hint = false} : vector<2000x128xf32>, vector<128x128xf32>, vector<2000x128xf32> -> vector<2000x128xf32>
    %get3A_63 = arith.constant 0 : index
    %get3A_64 = arith.constant 0 : index
    %get3A_65 = vector.load %arg8[%get3A_63, %get3A_64] : memref<1x128xf32, #tpu.memory_space<vmem>>, vector<1x128xf32>
    %add3A_66 = vector.broadcast %get3A_65 : vector<1x128xf32> to vector<2000x128xf32>
    %add3A_67 = arith.addf %dot_general3A_62, %add3A_66 : vector<2000x128xf32>
    %max3A_68 = arith.constant 0.000000e+00 : f32
    %max3A_69 = vector.broadcast %max3A_68 : f32 to vector<2000x128xf32>
    %max3A_70 = arith.maximumf %add3A_67, %max3A_69 : vector<2000x128xf32>
    %mul3A_71 = arith.mulf %div3A_57, %max3A_70 : vector<2000x128xf32>
    %sub3A_72 = arith.constant 1.000000e+00 : f32
    %sub3A_73 = vector.broadcast %sub3A_72 : f32 to vector<2000x128xf32>
    %sub3A_74 = arith.subf %sub3A_73, %div3A_57 : vector<2000x128xf32>
    %mul3A_75 = arith.mulf %sub3A_74, %add3A_37 : vector<2000x128xf32>
    %add3A_76 = arith.addf %mul3A_71, %mul3A_75 : vector<2000x128xf32>
    %swap3A = arith.constant 0 : index
    %swap3A_77 = arith.constant 0 : index
    %swap3A_78 = vector.load %arg11[%swap3A, %swap3A_77] : memref<2000x128xf32, #tpu.memory_space<vmem>>, vector<2000x128xf32>
    tpu.vector_store %arg11[%swap3A, %swap3A_77], %add3A_76 {strides = array<i32>} : memref<2000x128xf32, #tpu.memory_space<vmem>>, vector<2000x128xf32>,
    return
  }
  func.func @transform_0(%arg0: i32) -> (i32, i32) {
    %c0_i32 = arith.constant 0 : i32
    %c0_i32_0 = arith.constant 0 : i32
    return %arg0, %c0_i32 : i32, i32
  }
  func.func @transform_1(%arg0: i32) -> (i32, i32) {
    %c0_i32 = arith.constant 0 : i32
    %c0_i32_0 = arith.constant 0 : i32
    %c0_i32_1 = arith.constant 0 : i32
    return %c0_i32, %c0_i32_0 : i32, i32
  }
  func.func @transform_2(%arg0: i32) -> (i32, i32) {
    %c0_i32 = arith.constant 0 : i32
    %c0_i32_0 = arith.constant 0 : i32
    %c0_i32_1 = arith.constant 0 : i32
    return %c0_i32, %c0_i32_0 : i32, i32
  }
  func.func @transform_3(%arg0: i32) -> (i32, i32) {
    %c0_i32 = arith.constant 0 : i32
    %c0_i32_0 = arith.constant 0 : i32
    %c0_i32_1 = arith.constant 0 : i32
    return %c0_i32, %c0_i32_0 : i32, i32
  }
  func.func @transform_4(%arg0: i32) -> (i32, i32) {
    %c0_i32 = arith.constant 0 : i32
    %c0_i32_0 = arith.constant 0 : i32
    %c0_i32_1 = arith.constant 0 : i32
    return %c0_i32, %c0_i32_0 : i32, i32
  }
  func.func @transform_5(%arg0: i32) -> (i32, i32) {
    %c0_i32 = arith.constant 0 : i32
    %c0_i32_0 = arith.constant 0 : i32
    %c0_i32_1 = arith.constant 0 : i32
    return %c0_i32, %c0_i32_0 : i32, i32
  }
  func.func @transform_6(%arg0: i32) -> (i32, i32) {
    %c0_i32 = arith.constant 0 : i32
    %c0_i32_0 = arith.constant 0 : i32
    %c0_i32_1 = arith.constant 0 : i32
    return %c0_i32, %c0_i32_0 : i32, i32
  }
  func.func @transform_7(%arg0: i32) -> (i32, i32) {
    %c0_i32 = arith.constant 0 : i32
    %c0_i32_0 = arith.constant 0 : i32
    %c0_i32_1 = arith.constant 0 : i32
    return %c0_i32, %c0_i32_0 : i32, i32
  }
  func.func @transform_8(%arg0: i32) -> (i32, i32) {
    %c0_i32 = arith.constant 0 : i32
    %c0_i32_0 = arith.constant 0 : i32
    %c0_i32_1 = arith.constant 0 : i32
    return %c0_i32, %c0_i32_0 : i32, i32
  }
  func.func @transform_9(%arg0: i32) -> (i32, i32) {
    %c0_i32 = arith.constant 0 : i32
    %c0_i32_0 = arith.constant 0 : i32
    %c0_i32_1 = arith.constant 0 : i32
    return %c0_i32, %c0_i32_0 : i32, i32
  }
  func.func @transform_10(%arg0: i32) -> (i32, i32) {
    %c0_i32 = arith.constant 0 : i32
    %c0_i32_0 = arith.constant 0 : i32
    return %arg0, %c0_i32 : i32, i32
  }
}

</mosaic_0001>

<sc_bundles>
// kernel: kernel.4.cloned.1.call-start
scs
__scs_entry_jumppad:
0x0: {  	(pc) =	sbr.rel $0x88, $3  }
0x1: {  	(tag) =	ssettag $0x0;
	lr =	simm.s32 $0x1  }
0x2: {  	[smem:$0x3F96] =	sst lr;
	_ =	strace $0xD0000000  }
0x3: {  	_ = 	snop  }
0x4: {  	_ = 	snop  }
0x5: {  	_ = 	snop  }
0x6: {  	_ = 	snop  }
0x7: {  	_ = 	snop  }
__scs_overlays_trampoline_lowered:
0x8: {  	[smem:$0x3FA5] =	sst s0  }
0x9: {  	[smem:$0x3FA6] =	sst s1  }
0xa: {  	[smem:$0x3FA7] =	sst s2  }
0xb: {  	[smem:$0x3FA8] =	sst s3  }
0xc: {  	[smem:$0x3FA9] =	sst s4  }
0xd: {  	[smem:$0x3FAA] =	sst s5  }
0xe: {  	[smem:$0x3FAB] =	sst s6  }
0xf: {  	[smem:$0x3FAC] =	sst s7  }
0x10: {  	[smem:$0x3FAD] =	sst s8  }
0x11: {  	[smem:$0x3FAE] =	sst s9;
	s0 =	simm.s32 @!p0 $0x0  }
0x12: {  	s1 =	sld [smem:$0x3F94];
	s0 =	simm.s32 @p0 $0x1  }
0x13: {  	[smem:$0x3FAF] =	sst s0;
	s0 =	simm.s32 @!p1 $0x0  }
0x14: {  	s2 =	sld [smem:$0x3F93];
	s0 =	simm.s32 @p1 $0x1  }
0x15: {  	[smem:$0x3FB0] =	sst s0;
	s0 =	simm.s32 @!p2 $0x0  }
0x16: {  	s3 =	sld [smem:$0x3FDB];
	s0 =	simm.s32 @p2 $0x1  }
0x17: {  	s4 =	simm.s32 $0x1BF5;
	[smem:$0x3FB2] =	sst s0  }
0x18: {  	s0 =	sld [smem:$0x3F95];
	_ =	swait.ge [sflag:s4], $0x0  }
0x19: {  	s7 =	sld [smem:$0x3F96]  }
0x1a: {  	s8 =	sadd.s32 $0xFFFFE003, lr  }
0x1b: {  	s9 =	sadd.s32 $0xFFFFFEF7, lr;
	s5 =	simm.s32 $0xFFFFFFFF;
	p2 =	slt.u32 s8, $0xFFFFF086  }
0x1c: {  	p1 =	slt.u32 s9, $0xF7A;
	s5 =	simm.s32 @!p2 $0x0  }
0x1d: {  	s5 =	simm.s32 @p1 $0x1;
	p0 =	seq.s32 s7, s2  }
0x1e: {  	s7 =	smul.u32 @!p0 $0xF7A, s2;
	p2 =	seq.s32 @!p0 s5, $0x0  }
0x1f: {  	s9 =	smul.u32 $0xF7A, s1;
	s8 =	simm.s32 @!p0 $0x1BF5;
	p2 =	por !p2, p0  }
0x20: {  	[sflag:s8] =	ssyncset.s32 @!p0 $0xFFFFF086;
	s6 =	sadd.s32 @!p0 s3, s7;
	s7 =	simm.s32 @!p0 $0x108  }
0x21: {  	s3 =	sadd.s32 s3, s9;
	s6 =	sadd.s32 @!p0 $0x88, s6;
	s7 =	simm.s32 @p2 $0x1082  }
0x22: {  	[simem:s7], [sflag:s8] =	dma.local @!p0 [hbm:s6], $0xF7A  }
0x23: {  	s9 =	sor.u32 $0xD0000000, s2;
	s6 =	simm.s32 $0x108;
	_ =	swait.ge @!p0 [sflag:s8], $0x0  }
0x24: {  	s3 =	sadd.s32 $0x88, s3;
	s6 =	simm.s32 @!p1 $0x1082;
	[sflag:s4] =	ssyncset.s32 $0xFFFFF086  }
0x25: {  	[simem:s6], [sflag:s4] =	dma.local [hbm:s3], $0xF7A  }
0x26: {  	[smem:$0x3F96] =	sst s1;
	(tag) =	ssettag s2;
	_ =	strace s9  }
0x27: {  	s1 =	sld [smem:$0x3FA6]  }
0x28: {  	s2 =	sld [smem:$0x3FA7]  }
0x29: {  	s4 =	sld [smem:$0x3FA9]  }
0x2a: {  	p0 =	seq.s32 s5, $0x0;
	s5 =	sld [smem:$0x3FAA]  }
0x2b: {  	s6 =	sld [smem:$0x3FAB]  }
0x2c: {  	s7 =	sld [smem:$0x3FAC]  }
0x2d: {  	s3 =	simm.s32 $0x108;
	s8 =	sld [smem:$0x3FAD]  }
0x2e: {  	s3 =	simm.s32 @!p0 $0x1082;
	s9 =	sld [smem:$0x3FAE]  }
0x2f: {  	lr =	sadd.s32 s0, s3;
	s0 =	sld [smem:$0x3FA5]  }
0x30: {  	s3 =	sld [smem:$0x3FA8]  }
0x31: {  	[smem:$0x3FB1] =	sst s10  }
0x32: {  	s10 =	sld [smem:$0x3FAF];
	_ =	sdelay $0x3  }
0x33: {  	p0 =	seq.s32 s10, $0x1;
	s10 =	sld [smem:$0x3FB1];
	_ =	sdelay $0x3  }
0x34: {  	[smem:$0x3FB1] =	sst s10  }
0x35: {  	s10 =	sld [smem:$0x3FB0];
	_ =	sdelay $0x3  }
0x36: {  	p1 =	seq.s32 s10, $0x1;
	s10 =	sld [smem:$0x3FB1];
	_ =	sdelay $0x3  }
0x37: {  	[smem:$0x3FB1] =	sst s10  }
0x38: {  	s10 =	sld [smem:$0x3FB2]  }
0x39: {  	_ = 	snop;
	(pc) =	sbr.ind lr, $3  }
0x3a: {  	_ = 	snop  }
0x3b: {  	_ = 	snop  }
0x3c: {  	p2 =	seq.s32 s10, $0x1;
	s10 =	sld [smem:$0x3FB1]  }
0x3d: {  	_ =	shalt  }
0x3e: {  	_ =	shalt  }
0x3f: {  	_ =	shalt  }
0x40: {  	_ =	shalt  }
0x41: {  	_ =	shalt  }
0x42: {  	_ =	shalt  }
0x43: {  	_ =	shalt  }
0x44: {  	_ =	shalt  }
0x45: {  	_ =	shalt  }
0x46: {  	_ =	shalt  }
0x47: {  	_ =	shalt  }
0x48: {  	_ =	shalt  }
0x49: {  	_ =	shalt  }
0x4a: {  	_ =	shalt  }
0x4b: {  	_ =	shalt  }
0x4c: {  	_ =	shalt  }
0x4d: {  	_ =	shalt  }
0x4e: {  	_ =	shalt  }
0x4f: {  	_ =	shalt  }
0x50: {  	_ =	shalt  }
0x51: {  	_ =	shalt  }
0x52: {  	_ =	shalt  }
0x53: {  	_ =	shalt  }
0x54: {  	_ =	shalt  }
0x55: {  	_ =	shalt  }
0x56: {  	_ =	shalt  }
0x57: {  	_ =	shalt  }
0x58: {  	_ =	shalt  }
0x59: {  	_ =	shalt  }
0x5a: {  	_ =	shalt  }
0x5b: {  	_ =	shalt  }
0x5c: {  	_ =	shalt  }
0x5d: {  	_ =	shalt  }
0x5e: {  	_ =	shalt  }
0x5f: {  	_ =	shalt  }
0x60: {  	_ =	shalt  }
0x61: {  	_ =	shalt  }
0x62: {  	_ =	shalt  }
0x63: {  	_ =	shalt  }
0x64: {  	_ =	shalt  }
0x65: {  	_ =	shalt  }
0x66: {  	_ =	shalt  }
0x67: {  	_ =	shalt  }
0x68: {  	_ =	shalt  }
0x69: {  	_ =	shalt  }
0x6a: {  	_ =	shalt  }
0x6b: {  	_ =	shalt  }
0x6c: {  	_ =	shalt  }
0x6d: {  	_ =	shalt  }
0x6e: {  	_ =	shalt  }
0x6f: {  	_ =	shalt  }
0x70: {  	_ =	shalt  }
0x71: {  	_ =	shalt  }
0x72: {  	_ =	shalt  }
0x73: {  	_ =	shalt  }
0x74: {  	_ =	shalt  }
0x75: {  	_ =	shalt  }
0x76: {  	_ =	shalt  }
0x77: {  	_ =	shalt  }
0x78: {  	_ =	shalt  }
0x79: {  	_ =	shalt  }
0x7a: {  	_ =	shalt  }
0x7b: {  	_ =	shalt  }
0x7c: {  	_ =	shalt  }
0x7d: {  	_ =	shalt  }
0x7e: {  	_ =	shalt  }
0x7f: {  	_ =	shalt  }
0x80: {  	_ =	shalt  }
0x81: {  	_ =	shalt  }
0x82: {  	_ =	shalt  }
0x83: {  	_ =	shalt  }
0x84: {  	_ =	shalt  }
0x85: {  	_ =	shalt  }
0x86: {  	_ =	shalt  }
0x87: {  	_ =	shalt  }
.Lfunc_end0:
.L_simem_size_0:
called_computation_lowered:
.L_overlay_start_0:
0x88: {  	s2 =	sld [smem:$0x3FD9]  }
0x89: {  	s3 =	sld [smem:$0x3FFE];
	_ =	sdelay $0x1  }
0x8a: {  	s1 =	srdreg.scid  }
0x8b: {  	s0 =	sand.u32 $0x1, s1  }
0x8c: {  	s17 =	sshll.u32 s0, $0xA;
	s2 =	sadd.s32 s3, s2  }
0x8d: {  	s2 =	sadd.s32 s2, s17  }
0x8e: {  	[smem:$0x3FBD] =	sst s2  }
0x8f: {  	_ = 	snop  }
0x90: {  	s2 =	sld [smem:$0x3FD0];
	(tm) =	ssettm $0x1  }
0x91: {  	s18 =	sld [smem:$0x3FFB];
	_ =	sdelay $0x3  }
0x92: {  	_ =	strace s18  }
0x93: {  	s3 =	sld [smem:$0x3FFC];
	_ =	sdelay $0x3  }
0x94: {  	_ =	strace s3  }
0x95: {  	s3 =	sld [smem:$0x3FFD];
	_ =	sdelay $0x3  }
0x96: {  	_ =	strace s3  }
0x97: {  	_ =	strace $0x8FFFFFFF  }
0x98: {  	s19 =	sld [smem:$0x3FDB];
	_ =	sdelay $0x1  }
0x99: {  	s4 =	simm.s32 $_scs_section_size  }
0x9a: {  	s5 =	simm.s32 $_size__tile_overlayer_lowered;
	s6 =	simm.s32 $_tile_overlayer_lowered  }
0x9b: {  	s22 =	simm.s32 $0x1BFF;
	s21 =	sshll.u32 s6, $0x1;
	s3 =	sadd.s32 s4, s19  }
0x9c: {  	s7 =	simm.s32 $0x0;
	s20 =	sshll.u32 s5, $0x1;
	s5 =	sadd.s32 s21, s3  }
0x9d: {  	[timem:s7], [sflag:s22] =	dma.local [hbm:s5], s20  }
0x9e: {  	_ =	swait.ge [sflag:s22], s20  }
0x9f: {  	s4 =	ssub.s32 $0x0, s20;
	[sflag:s22] =	ssyncset.done $0x0  }
0xa0: {  	[sflag:s22] =	ssyncadd.s32 s4;
	_ =	sdelay $0x1  }
0xa1: {  	s23 =	simm.s32 $0x1B8B  }
0xa2: {  	_ =	swait.ge [sflag:s23], $0x1  }
0xa3: {  	[sflag:s23] =	ssyncset.done $0x0  }
0xa4: {  	s25 =	simm.s32 $0x1B8E;
	s24 =	sld [smem:$0x3FFE];
	[sflag:s23] =	ssyncadd.s32 $0xFFFFFFFF  }
0xa5: {  	s26 =	simm.s32 $execute0_lowered;
	[smem:$0x3FD2] =	sst s25  }
0xa6: {  	s5 =	sshll.u32 s26, $0x1;
	_ =	strace $0x80000046;
	[dreg:$0x1] =	wrdreg $0xFFFFFFFF  }
0xa7: {  	s28 =	simm.s32 $_size_execute0_lowered;
	s3 =	sadd.s32 s3, s5;
	[dreg:$0x0] =	wrdreg $0x0  }
0xa8: {  	s5 =	sshll.u32 s28, $0x1;
	[dreg:$0x2] =	wrdreg s3  }
0xa9: {  	[dreg:$0x3] =	wrdreg s5  }
0xaa: {  	[dreg:$0x4] =	wrdreg $0xC0  }
0xab: {  	_ =	task [dreg:s7], $0x5FFFF  }
0xac: {  	[dreg:$0x1] =	wrdreg $0xFFFFFFFF  }
0xad: {  	[dreg:$0x0] =	wrdreg $0x60  }
0xae: {  	[dreg:$0x2] =	wrdreg s24  }
0xaf: {  	[dreg:$0x3] =	wrdreg s2  }
0xb0: {  	[dreg:$0x4] =	wrdreg $0x9  }
0xb1: {  	_ =	task.clear_ibuf [dreg:s7], $0x5FFFF;
	_ =	strace $0x90000046  }
0xb2: {  	s29 =	simm.s32 $0x9;
	_ =	strace $0x80000048  }
0xb3: {  	_ =	swait.ge [sflag:s29], $0x1  }
0xb4: {  	[sflag:s29] =	ssyncadd.s32 $0xFFFFFFFF  }
0xb5: {  	_ =	strace $0x90000048  }
0xb6: {  	_ =	sfence  }
0xb7: {  	s30 =	sld [smem:$0x0];
	_ =	sdelay $0x2  }
0xb8: {  	s31 =	sshll.u32 s1, $0xD;
	s1 =	sshrl.u32 s1, $0x2  }
0xb9: {  	s3 =	sand.u32 $0x4000, s31;
	s1 =	sadd.s32 s1, s30  }
0xba: {  	s0 =	sor.u32 s3, s0;
	s1 =	sshll.u32 s1, $0x11  }
0xbb: {  	s0 =	sor.u32 s1, s0  }
0xbc: {  	s0 =	sadd.s32 $0x8F2B, s0  }
0xbd: {  	[sflag:s0] =	ssyncadd.remote.s32 $0x1  }
0xbe: {  	_ =	sfence.sel $0xFFFF  }
0xbf: {  	[dreg:$0x0] =	wrdreg $0xFFFFFFFF;
	(pc) =	sbr.abs _section_cstart, $3  }
0xc0: {  	[dreg:$0x1] =	wrdreg $0xFFFFFFFF  }
0xc1: {  	_ =	task.clear_ibuf [dreg:s7], $0x2FFFF;
	_ =	strace $0x9FFFFFFF  }
0xc2: {  	(tm) =	ssettm $0x7FFFFFFF  }
0xc3: {  	_ =	shalt  }
tec
execute0_lowered:
.L_overlay_start_1:
0x0: {  	(tag) =	ssettag $0x1  }
0x1: {  	s4 =	rddreg [dreg:$0x0];
	s1 =	srdreg.scid  }
0x2: {  	s0 =	stileid.u32;
	s8 =	rddreg [dreg:$0x1];
	s2 =	simm.s32 $0x0  }
0x3: {  	s11 =	simm.s32 $0x6400;
	s12 =	simm.s32 $0xA400;
	s13 =	simm.s32 $0x1  }
0x4: {  	s14 =	simm.s32 $0x2;
	s15 =	simm.s32 $0x6380;
	s16 =	simm.s32 $0x0  }
0x5: {  	s6 =	sand.u32 $0x1, s1;
	s3 =	sshll.u32 s0, $0x1;
	s1 =	rddreg [dreg:$0x2]  }
0x6: {  	[smem:$0x7FF] =	sst s2;
	s29 =	smul.u32 $0xC8000, s0;
	s5 =	sor.u32 s6, s3  }
0x7: {  	_ =	strace $0x80000047;
	s9 =	ssub.s32 $0x2, s6;
	s7 =	smul.u32 $0xC80, s5  }
0x8: {  	s3 =	sadd.s32 $0x1A600, s4;
	s26 =	sshrl.u32 s9, $0x1;
	s10 =	smul.u32 $0x64000, s5  }
0x9: {  	s31 =	smul.u32 $0x64000, s6;
	s28 =	ssub.s32 s9, s26;
	s9 =	simm.s32 $0x3  }
0xa: {  	s4 =	sadd.s32 s7, s4;
	s5 =	smax.u32 s28, $0x1;
	s30 =	sadd.s32 s8, s10  }
0xb: {  	s8 =	sadd.s32 s29, s8;
	s10 =	simm.s32 $0x80;
	s4 =	sadd.s32 $0x1600, s4  }
0xc: {  	s6 =	sadd.s32 $0x63000, s30;
	s7 =	sadd.s32 $0x63800, s30;
	s8 =	sadd.s32 s31, s8  }
.LBB2_1:
0xd: {  	[tilespmem:s2], [sflag:$0x3] =	stream.linear.gather [hbm4b:s4+s2], $0x6400, $0x38;
	[tilespmem:$0xE400] =	vst v63  }
0xe: {  	_ =	swait.ge [sflag:s9], $0x6400  }
0xf: {  	[sflag:s9] =	ssyncset.done $0x0  }
0x10: {  	[sflag:s9] =	ssyncadd.s32 $0xFFFF9C00  }
0x11: {  	[tilespmem:s11], [sflag:$0x1] =	stream.indirect.gather [hbm4b:s3+s10], $0x80, s2, s10, $0xb8;
	[tilespmem:$0xE400] =	vst v63  }
0x12: {  	s17 =	simm.s32 $0x80  }
0x13: {  	[tilespmem:s12], [sflag:$0x2] =	stream.indirect.gather [hbm4b:s3+s10], $0x80, s17, s10, $0xb8;
	[tilespmem:$0xE400] =	vst v63  }
0x14: {  	_ =	swait.ge [sflag:s13], $0x4000  }
0x15: {  	[sflag:s13] =	ssyncset.done $0x0  }
0x16: {  	s31 =	sadd.s32 $0x0, s8;
	[sflag:s13] =	ssyncadd.s32 $0xFFFFC000  }
0x17: {  	[hbm4b:s31+s2] =	stream.linear.scatter [tilespmem:s11], [sflag:$0x3], $0x4000, $0x38;
	[tilespmem:$0xE400] =	vst v63  }
0x18: {  	_ =	swait.ge [sflag:s9], $0x4000  }
0x19: {  	[sflag:s9] =	ssyncset.done $0x0  }
0x1a: {  	s18 =	simm.s32 $0x100;
	[sflag:s9] =	ssyncadd.s32 $0xFFFFC000  }
0x1b: {  	[tilespmem:s11], [sflag:$0x1] =	stream.indirect.gather [hbm4b:s3+s10], $0x80, s18, s10, $0xb8;
	[tilespmem:$0xE400] =	vst v63  }
0x1c: {  	_ =	swait.ge [sflag:s14], $0x4000  }
0x1d: {  	[sflag:s14] =	ssyncset.done $0x0  }
0x1e: {  	s17 =	sadd.s32 $0x800, s31;
	[sflag:s14] =	ssyncadd.s32 $0xFFFFC000  }
0x1f: {  	[hbm4b:s17+s2] =	stream.linear.scatter [tilespmem:s12], [sflag:$0x3], $0x4000, $0x38;
	[tilespmem:$0xE400] =	vst v63  }
0x20: {  	s19 =	simm.s32 $0x2000;
	_ =	swait.ge [sflag:s9], $0x4000  }
0x21: {  	s18 =	simm.s32 $0x1000;
	s17 =	simm.s32 $0x200;
	[sflag:s9] =	ssyncset.done $0x0  }
.LBB2_2:
0x22: {  	p0 =	sne.s32 s19, $0x62000;
	s20 =	sadd.s32 $0xFFFFFF80, s17;
	[sflag:s9] =	ssyncadd.s32 $0xFFFFC000  }
0x23: {  	[tilespmem:s12], [sflag:$0x2] =	stream.indirect.gather [hbm4b:s3+s10], $0x80, s20, s10, $0xb8;
	[tilespmem:$0xE400] =	vst v63  }
0x24: {  	s20 =	smov.u32 s19;
	s19 =	sadd.s32 $0x1000, s19;
	_ =	swait.ge [sflag:s13], $0x4000  }
0x25: {  	[sflag:s13] =	ssyncset.done $0x0  }
0x26: {  	s21 =	sadd.s32 s18, s8;
	s18 =	smov.u32 s20;
	[sflag:s13] =	ssyncadd.s32 $0xFFFFC000  }
0x27: {  	[hbm4b:s21+s2] =	stream.linear.scatter [tilespmem:s11], [sflag:$0x3], $0x4000, $0x38;
	[tilespmem:$0xE400] =	vst v63  }
0x28: {  	_ =	swait.ge [sflag:s9], $0x4000  }
0x29: {  	[sflag:s9] =	ssyncset.done $0x0  }
0x2a: {  	[sflag:s9] =	ssyncadd.s32 $0xFFFFC000  }
0x2b: {  	[tilespmem:s11], [sflag:$0x1] =	stream.indirect.gather [hbm4b:s3+s10], $0x80, s17, s10, $0xb8;
	[tilespmem:$0xE400] =	vst v63  }
0x2c: {  	_ =	swait.ge [sflag:s14], $0x4000  }
.Ltmp0:
0x2d: {  	[sflag:s14] =	ssyncset.done $0x0;
	(pc) =	sbr.rel @p0 .LBB2_2-.Ltmp0, $4  }
0x2e: {  	s20 =	sadd.s32 $0x800, s21;
	[sflag:s14] =	ssyncadd.s32 $0xFFFFC000  }
0x2f: {  	[hbm4b:s20+s2] =	stream.linear.scatter [tilespmem:s12], [sflag:$0x3], $0x4000, $0x38;
	[tilespmem:$0xE400] =	vst v63  }
0x30: {  	_ =	swait.ge [sflag:s9], $0x4000  }
0x31: {  	s17 =	sadd.s32 $0x100, s17;
	[sflag:s9] =	ssyncset.done $0x0  }
0x32: {  	s19 =	sadd.s32 $0xFFFFFF80, s17;
	[sflag:s9] =	ssyncadd.s32 $0xFFFFC000  }
0x33: {  	[tilespmem:s12], [sflag:$0x2] =	stream.indirect.gather [hbm4b:s3+s10], $0x80, s19, s10, $0xb8;
	[tilespmem:$0xE400] =	vst v63  }
0x34: {  	_ =	swait.ge [sflag:s13], $0x4000  }
0x35: {  	[sflag:s13] =	ssyncset.done $0x0  }
0x36: {  	s18 =	sadd.s32 s18, s8;
	[sflag:s13] =	ssyncadd.s32 $0xFFFFC000  }
0x37: {  	[hbm4b:s18+s2] =	stream.linear.scatter [tilespmem:s11], [sflag:$0x3], $0x4000, $0x38;
	[tilespmem:$0xE400] =	vst v63  }
0x38: {  	_ =	swait.ge [sflag:s9], $0x4000  }
0x39: {  	[sflag:s9] =	ssyncset.done $0x0  }
0x3a: {  	[sflag:s9] =	ssyncadd.s32 $0xFFFFC000  }
0x3b: {  	[tilespmem:s11], [sflag:$0x1] =	stream.indirect.gather [hbm4b:s3+s10], $0x80, s17, s10, $0xb8;
	[tilespmem:$0xE400] =	vst v63  }
0x3c: {  	_ =	swait.ge [sflag:s14], $0x4000  }
0x3d: {  	[sflag:s14] =	ssyncset.done $0x0  }
0x3e: {  	s31 =	sadd.s32 $0x800, s18;
	[sflag:s14] =	ssyncadd.s32 $0xFFFFC000  }
0x3f: {  	[hbm4b:s31+s2] =	stream.linear.scatter [tilespmem:s12], [sflag:$0x3], $0x4000, $0x38;
	[tilespmem:$0xE400] =	vst v63  }
0x40: {  	_ =	swait.ge [sflag:s9], $0x4000  }
0x41: {  	[sflag:s9] =	ssyncset.done $0x0  }
0x42: {  	[sflag:s9] =	ssyncadd.s32 $0xFFFFC000  }
0x43: {  	[tilespmem:s12], [sflag:$0x2] =	stream.indirect.gather [hbm4b:s3+s10], $0x80, s15, s10, $0xb8;
	[tilespmem:$0xE400] =	vst v63  }
0x44: {  	_ =	swait.ge [sflag:s13], $0x4000  }
0x45: {  	[sflag:s13] =	ssyncset.done $0x0  }
0x46: {  	[sflag:s13] =	ssyncadd.s32 $0xFFFFC000  }
0x47: {  	[hbm4b:s6+s2] =	stream.linear.scatter [tilespmem:s11], [sflag:$0x3], $0x4000, $0x38;
	[tilespmem:$0xE400] =	vst v63  }
0x48: {  	_ =	swait.ge [sflag:s9], $0x4000  }
0x49: {  	[sflag:s9] =	ssyncset.done $0x0  }
0x4a: {  	[sflag:s9] =	ssyncadd.s32 $0xFFFFC000  }
0x4b: {  	s16 =	sadd.s32 $0x1, s16;
	_ =	swait.ge [sflag:s14], $0x4000  }
0x4c: {  	p0 =	sne.s32 s16, s5;
	[sflag:s14] =	ssyncset.done $0x0  }
.Ltmp1:
0x4d: {  	[sflag:s14] =	ssyncadd.s32 $0xFFFFC000;
	(pc) =	sbr.rel @p0 .LBB2_1-.Ltmp1, $4  }
0x4e: {  	[hbm4b:s7+s2] =	stream.linear.scatter [tilespmem:s12], [sflag:$0x3], $0x4000, $0x38;
	[tilespmem:$0xE400] =	vst v63  }
0x4f: {  	_ =	swait.ge [sflag:s9], $0x4000  }
0x50: {  	[sflag:s9] =	ssyncset.done $0x0  }
0x51: {  	[sflag:s9] =	ssyncadd.s32 $0xFFFFC000  }
0x52: {  	_ =	sfence.sel $0x180000  }
0x53: {  	[bflag:$0x0] =	sbarrier.arrive $0xFFFF  }
0x54: {  	p0 =	sne.s32 s0, $0x0;
	_ =	strace $0x90000047  }
0x55: {  	s0 =	sadd.s32 @!p0 $0x100000, s1;
	[bflag:$0x2] =	sbarrier.arrive $0xFFFF  }
0x56: {  	[sflag:s0] =	ssyncadd.tile.s32 @!p0 $0x1;
	_ =	shalt  }
.Lfunc_end2:
_tile_overlayer_lowered:
.L_overlay_start_2:
0x57: {  	(tag) =	ssettag $0x2  }
0x58: {  	s0 =	rddreg [dreg:$0x0];
	s2 =	stileid.u32  }
0x59: {  	s1 =	rddreg [dreg:$0x1];
	p0 =	sne.s32 s2, $0x0  }
0x5a: {  	s3 =	rddreg [dreg:$0x2];
	[bflag:$0x3] =	sbarrier.arrive $0xFFFF;
	s2 =	simm.s32 @!p0 $0x1C03  }
0x5b: {  	[timem:s3], [sflag:s2] =	dma.local @!p0 [hbm:s0], s1  }
0x5c: {  	s0 =	simm.s32 @!p0 $0x3  }
0x5d: {  	_ =	swait.ge @!p0 [sflag:s0], s1  }
0x5e: {  	s1 =	ssub.s32 @!p0 $0x0, s1;
	[sflag:s0] =	ssyncset.done @!p0 $0x0  }
0x5f: {  	[sflag:s0] =	ssyncadd.s32 @!p0 s1  }
0x60: {  	[bflag:$0x3] =	sbarrier.arrive $0xFFFF  }
0x61: {  	_ =	shalt  }

</sc_bundles>
